<compile_context>
chip_gen: v7x
topology: tpu7x:2x2x1
jax: 0.10.2.dev20260603
libtpu: 0.0.44.dev20260713+nightly
codegen_flags: <defaults>
</compile_context>

<pallas_src>
import functools

import jax
import jax.numpy as jnp
from jax import lax
from jax.experimental import pallas as pl
from jax.experimental.pallas import tpu as pltpu
from jax.experimental.pallas import tpu_sc as plsc

_NC = 2
_NS = 16
_NW = _NC * _NS
_K = 128


def _fuse_body(x_ref, w_ref, b_ref, h_ref):
    acc = jnp.dot(x_ref[...], w_ref[...], preferred_element_type=jnp.float32)
    h_ref[...] = jnp.maximum(acc + b_ref[...], 0.0)


def _seg_body(n_pad, n_chunks, h_hbm, src_hbm, dst_hbm, z_hbm, out_hbm,
              src_v, dst_v, rows_v, g_sh, sem):
    c = lax.axis_index("c")
    s = lax.axis_index("s")

    pltpu.sync_copy(src_hbm.at[c, s], src_v)
    pltpu.sync_copy(dst_hbm.at[c, s], dst_v)

    zc = n_pad // _NS // _K
    pltpu.sync_copy(z_hbm, rows_v)
    for i in range(zc):
        pltpu.sync_copy(rows_v, g_sh.at[pl.ds((s * zc + i) * _K, _K)])
    plsc.subcore_barrier()

    def body(ch, carry):
        pltpu.async_copy(h_hbm.at[src_v.at[ch]], rows_v, sem).wait()
        pltpu.sync_copy(rows_v, g_sh.at[dst_v.at[ch]], add=True)
        return carry

    lax.fori_loop(0, n_chunks, body, 0)
    plsc.subcore_barrier()

    rpt = n_pad // _NS
    pltpu.sync_copy(g_sh.at[pl.ds(s * rpt, rpt)],
                    out_hbm.at[c, pl.ds(s * rpt, rpt)])


def _out_body(h_ref, g0_ref, g1_ref, wmsg_ref, wuh_ref, wua_ref, bu_ref,
              wcls_ref, bcls_ref, o_ref):
    g = g0_ref[...] + g1_ref[...]
    wma = jnp.dot(wmsg_ref[...], wua_ref[...],
                  preferred_element_type=jnp.float32)
    h2 = jnp.maximum(
        jnp.dot(h_ref[...], wuh_ref[...], preferred_element_type=jnp.float32)
        + jnp.dot(g, wma, preferred_element_type=jnp.float32)
        + bu_ref[...], 0.0)
    o_ref[...] = (jnp.dot(h2, wcls_ref[...],
                          preferred_element_type=jnp.float32) + bcls_ref[...])


def kernel(x, edge_index, W_fuse, b_fuse, W_msg, W_upd, b_upd, W_cls, b_cls):
    n, d_in = x.shape
    hid = W_fuse.shape[1]
    ncls = W_cls.shape[1]
    e = edge_index.shape[1]

    n_blk = 1000
    grid1 = n // n_blk
    h = pl.pallas_call(
        _fuse_body,
        grid=(grid1,),
        in_specs=[
            pl.BlockSpec((n_blk, d_in), lambda i: (i, 0)),
            pl.BlockSpec((d_in, hid), lambda i: (0, 0)),
            pl.BlockSpec((1, hid), lambda i: (0, 0)),
        ],
        out_specs=pl.BlockSpec((n_blk, hid), lambda i: (i, 0)),
        out_shape=jax.ShapeDtypeStruct((n, hid), jnp.float32),
    )(x, W_fuse, b_fuse.reshape(1, hid))

    per_tile = -(-e // (_NW * _K)) * _K
    e_pad = per_tile * _NW
    n_chunks = per_tile // _K
    n_pad = -(-(n + 1) // (_NS * _K)) * (_NS * _K)

    src = edge_index[0].astype(jnp.int32)
    dst = edge_index[1].astype(jnp.int32)
    pad = e_pad - e
    src = jnp.pad(src, (0, pad)).reshape(_NC, _NS, n_chunks, _K)
    dst_pad = n + (jnp.arange(pad, dtype=jnp.int32) % (n_pad - n))
    dst = jnp.concatenate([dst, dst_pad]).reshape(_NC, _NS, n_chunks, _K)
    zeros_blk = jnp.zeros((_K, hid), jnp.float32)

    mesh = plsc.VectorSubcoreMesh(core_axis_name="c", subcore_axis_name="s",
                                  num_cores=_NC, num_subcores=_NS)
    g_parts = pl.kernel(
        functools.partial(_seg_body, n_pad, n_chunks),
        out_type=jax.ShapeDtypeStruct((_NC, n_pad, hid), jnp.float32),
        mesh=mesh,
        scratch_types=[
            pltpu.VMEM((n_chunks, _K), jnp.int32),
            pltpu.VMEM((n_chunks, _K), jnp.int32),
            pltpu.VMEM((_K, hid), jnp.float32),
            pltpu.VMEM_SHARED((n_pad, hid), jnp.float32),
            pltpu.SemaphoreType.DMA,
        ],
    )(h, src, dst, zeros_blk)

    out = pl.pallas_call(
        _out_body,
        grid=(grid1,),
        in_specs=[
            pl.BlockSpec((n_blk, hid), lambda i: (i, 0)),
            pl.BlockSpec((n_blk, hid), lambda i: (i, 0)),
            pl.BlockSpec((n_blk, hid), lambda i: (i, 0)),
            pl.BlockSpec((hid, hid), lambda i: (0, 0)),
            pl.BlockSpec((hid, hid), lambda i: (0, 0)),
            pl.BlockSpec((hid, hid), lambda i: (0, 0)),
            pl.BlockSpec((1, hid), lambda i: (0, 0)),
            pl.BlockSpec((hid, ncls), lambda i: (0, 0)),
            pl.BlockSpec((1, ncls), lambda i: (0, 0)),
        ],
        out_specs=pl.BlockSpec((n_blk, ncls), lambda i: (i, 0)),
        out_shape=jax.ShapeDtypeStruct((n, ncls), jnp.float32),
    )(h, g_parts[0], g_parts[1], W_msg, W_upd[:hid], W_upd[hid:],
      b_upd.reshape(1, hid), W_cls, b_cls.reshape(1, ncls))
    return out

# --- scband reference (transcript-rebuilt; emitter-appended) ---
"""Pipeline reference for scband-fusion-gnn-2534030704716 (READ-ONLY COPY).

The authoritative reference and input builder live on the scoring server;
editing this copy changes nothing except your own understanding.
"""

import jax, jax.numpy as jnp
import numpy as np

N_NODES = 10000
N_EDGES = 320000
IN_DIM = 128
HID = 128
NUM_CLASSES = 64

def setup_inputs(seed: int = 0) -> dict:
    key = jax.random.key(seed)
    ks = jax.random.split(key, 10)
    x = jax.random.normal(ks[0], (N_NODES, IN_DIM), dtype=jnp.float32)
    edge_index = jax.random.randint(ks[1], (2, N_EDGES), 0, N_NODES, dtype=jnp.int64 if jax.config.jax_enable_x64 else jnp.int32)
    s = 1.0 / np.sqrt(IN_DIM)
    W_fuse = jax.random.uniform(ks[2], (IN_DIM, HID), minval=-s, maxval=s, dtype=jnp.float32)
    b_fuse = jax.random.uniform(ks[3], (HID,), minval=-s, maxval=s, dtype=jnp.float32)
    sh = 1.0 / np.sqrt(HID)
    W_msg = jax.random.uniform(ks[4], (HID, HID), minval=-sh, maxval=sh, dtype=jnp.float32)
    su = 1.0 / np.sqrt(HID + HID)
    W_upd = jax.random.uniform(ks[5], (HID + HID, HID), minval=-su, maxval=su, dtype=jnp.float32)
    b_upd = jax.random.uniform(ks[6], (HID,), minval=-su, maxval=su, dtype=jnp.float32)
    W_cls = jax.random.uniform(ks[7], (HID, NUM_CLASSES), minval=-sh, maxval=sh, dtype=jnp.float32)
    b_cls = jax.random.uniform(ks[8], (NUM_CLASSES,), minval=-sh, maxval=sh, dtype=jnp.float32)
    return {"x": x, "edge_index": edge_index, "W_fuse": W_fuse, "b_fuse": b_fuse, "W_msg": W_msg, "W_upd": W_upd, "b_upd": b_upd, "W_cls": W_cls, "b_cls": b_cls}

def reference(x, edge_index, W_fuse, b_fuse, W_msg, W_upd, b_upd, W_cls, b_cls):
    # fuse: Linear + ReLU
    h = jax.nn.relu(x @ W_fuse + b_fuse)
    # message passing layer
    src = edge_index[0]
    dst = edge_index[1]
    messages = h[src] @ W_msg  # gather + matmul (W_msg has no bias)
    agg = jnp.zeros((h.shape[0], messages.shape[1]), dtype=h.dtype).at[dst].add(messages)  # index_add_
    h2 = jax.nn.relu(jnp.concatenate([h, agg], axis=1) @ W_upd + b_upd)
    # classifier
    return h2 @ W_cls + b_cls

if __name__ == "__main__":
    import jax
    _d = setup_inputs()
    print(jax.jit(kernel)(*tuple(_d.values())))

</pallas_src>

<mosaic_0001>
#map = affine_map<(d0, d1) -> (0, 0)>
#map1 = affine_map<(d0, d1) -> (0, 0, 0, 0)>
#map2 = affine_map<(d0, d1) -> (0, 0, 0)>
module attributes {stable_mosaic.version = 14 : i64} {
  func.func @_seg_body(%arg0: i32, %arg1: i32, %arg2: memref<10000x128xf32, #tpu.memory_space<hbm>>, %arg3: memref<2x16x79x128xi32, #tpu.memory_space<hbm>>, %arg4: memref<2x16x79x128xi32, #tpu.memory_space<hbm>>, %arg5: memref<128x128xf32, #tpu.memory_space<hbm>>, %arg6: memref<2x10240x128xf32, #tpu.memory_space<hbm>>, %arg7: memref<79x128xi32, #tpu.memory_space<vmem>>, %arg8: memref<79x128xi32, #tpu.memory_space<vmem>>, %arg9: memref<128x128xf32, #tpu.memory_space<vmem>>, %arg10: memref<10240x128xf32, #tpu.memory_space<vmem_shared>>, %arg11: memref<!tpu.dma_semaphore, #tpu.memory_space<semaphore_mem>>) attributes {dimension_semantics = [#tpu.dimension_semantics<core_parallel>, #tpu.dimension_semantics<subcore_parallel>], iteration_bounds = array<i64: 2, 16>, scalar_prefetch = 0 : i64, scratch_operands = 5 : i64, tpu.core_type = #tpu.core_type<sc_vector_subcore>, window_params = [{transform_indices = #map}, {transform_indices = #map1}, {transform_indices = #map1}, {transform_indices = #map}, {transform_indices = #map2}]} {
    "tpu.region"() ({
      %run_scoped3A = tpu.sem_alloc : memref<!tpu.dma_semaphore, #tpu.memory_space<semaphore_mem>>
      %dma_start3A = arith.constant 0 : i32
      %dma_start3A_38 = arith.constant 0 : i32
      %dma_start3A_39 = tpu.memref_slice %arg3[%arg0, %arg1, %dma_start3A, %dma_start3A_38] : memref<2x16x79x128xi32, #tpu.memory_space<hbm>> -> memref<1x1x79x128xi32, #tpu.memory_space<hbm>>
      %dma_start3A_40 = tpu.memref_squeeze %dma_start3A_39 : memref<1x1x79x128xi32, #tpu.memory_space<hbm>> -> memref<79x128xi32, #tpu.memory_space<hbm>>
      %dma_start3A_41 = arith.constant 0 : i32
      %dma_start3A_42 = arith.constant 0 : i32
      %dma_start3A_43 = tpu.memref_slice %arg3[%arg0, %arg1, %dma_start3A_41, %dma_start3A_42] : memref<2x16x79x128xi32, #tpu.memory_space<hbm>> -> memref<1x1x79x128xi32, #tpu.memory_space<hbm>>
      %dma_start3A_44 = tpu.memref_squeeze %dma_start3A_43 : memref<1x1x79x128xi32, #tpu.memory_space<hbm>> -> memref<79x128xi32, #tpu.memory_space<hbm>>
      tpu.enqueue_dma source(%dma_start3A_44 : memref<79x128xi32, #tpu.memory_space<hbm>>) target(%arg7 : memref<79x128xi32, #tpu.memory_space<vmem>>) target_semaphore(%run_scoped3A : memref<!tpu.dma_semaphore, #tpu.memory_space<semaphore_mem>>)
      %dma_wait3A = arith.constant 0 : i32
      %dma_wait3A_45 = arith.constant 0 : i32
      %dma_wait3A_46 = tpu.memref_slice %arg3[%arg0, %arg1, %dma_wait3A, %dma_wait3A_45] : memref<2x16x79x128xi32, #tpu.memory_space<hbm>> -> memref<1x1x79x128xi32, #tpu.memory_space<hbm>>
      %dma_wait3A_47 = tpu.memref_squeeze %dma_wait3A_46 : memref<1x1x79x128xi32, #tpu.memory_space<hbm>> -> memref<79x128xi32, #tpu.memory_space<hbm>>
      %dma_wait3A_48 = arith.constant 0 : i32
      %dma_wait3A_49 = arith.constant 0 : i32
      %dma_wait3A_50 = tpu.memref_slice %arg3[%arg0, %arg1, %dma_wait3A_48, %dma_wait3A_49] : memref<2x16x79x128xi32, #tpu.memory_space<hbm>> -> memref<1x1x79x128xi32, #tpu.memory_space<hbm>>
      %dma_wait3A_51 = tpu.memref_squeeze %dma_wait3A_50 : memref<1x1x79x128xi32, #tpu.memory_space<hbm>> -> memref<79x128xi32, #tpu.memory_space<hbm>>
      tpu.wait_dma2 semaphore(%run_scoped3A : memref<!tpu.dma_semaphore, #tpu.memory_space<semaphore_mem>>) src(%dma_wait3A_51 : memref<79x128xi32, #tpu.memory_space<hbm>>) dst(%arg7 : memref<79x128xi32, #tpu.memory_space<vmem>>)
      tpu.yield
    }) : () -> ()
    "tpu.region"() ({
      %run_scoped3A = tpu.sem_alloc : memref<!tpu.dma_semaphore, #tpu.memory_space<semaphore_mem>>
      %dma_start3A = arith.constant 0 : i32
      %dma_start3A_38 = arith.constant 0 : i32
      %dma_start3A_39 = tpu.memref_slice %arg4[%arg0, %arg1, %dma_start3A, %dma_start3A_38] : memref<2x16x79x128xi32, #tpu.memory_space<hbm>> -> memref<1x1x79x128xi32, #tpu.memory_space<hbm>>
      %dma_start3A_40 = tpu.memref_squeeze %dma_start3A_39 : memref<1x1x79x128xi32, #tpu.memory_space<hbm>> -> memref<79x128xi32, #tpu.memory_space<hbm>>
      %dma_start3A_41 = arith.constant 0 : i32
      %dma_start3A_42 = arith.constant 0 : i32
      %dma_start3A_43 = tpu.memref_slice %arg4[%arg0, %arg1, %dma_start3A_41, %dma_start3A_42] : memref<2x16x79x128xi32, #tpu.memory_space<hbm>> -> memref<1x1x79x128xi32, #tpu.memory_space<hbm>>
      %dma_start3A_44 = tpu.memref_squeeze %dma_start3A_43 : memref<1x1x79x128xi32, #tpu.memory_space<hbm>> -> memref<79x128xi32, #tpu.memory_space<hbm>>
      tpu.enqueue_dma source(%dma_start3A_44 : memref<79x128xi32, #tpu.memory_space<hbm>>) target(%arg8 : memref<79x128xi32, #tpu.memory_space<vmem>>) target_semaphore(%run_scoped3A : memref<!tpu.dma_semaphore, #tpu.memory_space<semaphore_mem>>)
      %dma_wait3A = arith.constant 0 : i32
      %dma_wait3A_45 = arith.constant 0 : i32
      %dma_wait3A_46 = tpu.memref_slice %arg4[%arg0, %arg1, %dma_wait3A, %dma_wait3A_45] : memref<2x16x79x128xi32, #tpu.memory_space<hbm>> -> memref<1x1x79x128xi32, #tpu.memory_space<hbm>>
      %dma_wait3A_47 = tpu.memref_squeeze %dma_wait3A_46 : memref<1x1x79x128xi32, #tpu.memory_space<hbm>> -> memref<79x128xi32, #tpu.memory_space<hbm>>
      %dma_wait3A_48 = arith.constant 0 : i32
      %dma_wait3A_49 = arith.constant 0 : i32
      %dma_wait3A_50 = tpu.memref_slice %arg4[%arg0, %arg1, %dma_wait3A_48, %dma_wait3A_49] : memref<2x16x79x128xi32, #tpu.memory_space<hbm>> -> memref<1x1x79x128xi32, #tpu.memory_space<hbm>>
      %dma_wait3A_51 = tpu.memref_squeeze %dma_wait3A_50 : memref<1x1x79x128xi32, #tpu.memory_space<hbm>> -> memref<79x128xi32, #tpu.memory_space<hbm>>
      tpu.wait_dma2 semaphore(%run_scoped3A : memref<!tpu.dma_semaphore, #tpu.memory_space<semaphore_mem>>) src(%dma_wait3A_51 : memref<79x128xi32, #tpu.memory_space<hbm>>) dst(%arg8 : memref<79x128xi32, #tpu.memory_space<vmem>>)
      tpu.yield
    }) : () -> ()
    "tpu.region"() ({
      %run_scoped3A = tpu.sem_alloc : memref<!tpu.dma_semaphore, #tpu.memory_space<semaphore_mem>>
      tpu.enqueue_dma source(%arg5 : memref<128x128xf32, #tpu.memory_space<hbm>>) target(%arg9 : memref<128x128xf32, #tpu.memory_space<vmem>>) target_semaphore(%run_scoped3A : memref<!tpu.dma_semaphore, #tpu.memory_space<semaphore_mem>>)
      tpu.wait_dma2 semaphore(%run_scoped3A : memref<!tpu.dma_semaphore, #tpu.memory_space<semaphore_mem>>) src(%arg5 : memref<128x128xf32, #tpu.memory_space<hbm>>) dst(%arg9 : memref<128x128xf32, #tpu.memory_space<vmem>>)
      tpu.yield
    }) : () -> ()
    %mul3A = arith.constant 5 : i32
    %mul3A_0 = arith.muli %arg1, %mul3A : i32
    %add3A = arith.constant 0 : i32
    %add3A_1 = arith.addi %mul3A_0, %add3A : i32
    %mul3A_2 = arith.constant 128 : i32
    %mul3A_3 = arith.muli %add3A_1, %mul3A_2 : i32
    "tpu.region"() ({
      %run_scoped3A = tpu.sem_alloc : memref<!tpu.dma_semaphore, #tpu.memory_space<semaphore_mem>>
      %dma_start3A = arith.constant 0 : i32
      %dma_start3A_38 = tpu.memref_slice %arg10[%mul3A_3, %dma_start3A] : memref<10240x128xf32, #tpu.memory_space<vmem_shared>> -> memref<128x128xf32, #tpu.memory_space<vmem_shared>>
      %dma_start3A_39 = arith.constant 0 : i32
      %dma_start3A_40 = tpu.memref_slice %arg10[%mul3A_3, %dma_start3A_39] : memref<10240x128xf32, #tpu.memory_space<vmem_shared>> -> memref<128x128xf32, #tpu.memory_space<vmem_shared>>
      tpu.enqueue_dma source(%arg9 : memref<128x128xf32, #tpu.memory_space<vmem>>) target(%dma_start3A_40 : memref<128x128xf32, #tpu.memory_space<vmem_shared>>) target_semaphore(%run_scoped3A : memref<!tpu.dma_semaphore, #tpu.memory_space<semaphore_mem>>)
      %dma_wait3A = arith.constant 0 : i32
      %dma_wait3A_41 = tpu.memref_slice %arg10[%mul3A_3, %dma_wait3A] : memref<10240x128xf32, #tpu.memory_space<vmem_shared>> -> memref<128x128xf32, #tpu.memory_space<vmem_shared>>
      %dma_wait3A_42 = arith.constant 0 : i32
      %dma_wait3A_43 = tpu.memref_slice %arg10[%mul3A_3, %dma_wait3A_42] : memref<10240x128xf32, #tpu.memory_space<vmem_shared>> -> memref<128x128xf32, #tpu.memory_space<vmem_shared>>
      tpu.wait_dma2 semaphore(%run_scoped3A : memref<!tpu.dma_semaphore, #tpu.memory_space<semaphore_mem>>) src(%arg9 : memref<128x128xf32, #tpu.memory_space<vmem>>) dst(%dma_wait3A_43 : memref<128x128xf32, #tpu.memory_space<vmem_shared>>)
      tpu.yield
    }) : () -> ()
    %mul3A_4 = arith.constant 5 : i32
    %mul3A_5 = arith.muli %arg1, %mul3A_4 : i32
    %add3A_6 = arith.constant 1 : i32
    %add3A_7 = arith.addi %mul3A_5, %add3A_6 : i32
    %mul3A_8 = arith.constant 128 : i32
    %mul3A_9 = arith.muli %add3A_7, %mul3A_8 : i32
    "tpu.region"() ({
      %run_scoped3A = tpu.sem_alloc : memref<!tpu.dma_semaphore, #tpu.memory_space<semaphore_mem>>
      %dma_start3A = arith.constant 0 : i32
      %dma_start3A_38 = tpu.memref_slice %arg10[%mul3A_9, %dma_start3A] : memref<10240x128xf32, #tpu.memory_space<vmem_shared>> -> memref<128x128xf32, #tpu.memory_space<vmem_shared>>
      %dma_start3A_39 = arith.constant 0 : i32
      %dma_start3A_40 = tpu.memref_slice %arg10[%mul3A_9, %dma_start3A_39] : memref<10240x128xf32, #tpu.memory_space<vmem_shared>> -> memref<128x128xf32, #tpu.memory_space<vmem_shared>>
      tpu.enqueue_dma source(%arg9 : memref<128x128xf32, #tpu.memory_space<vmem>>) target(%dma_start3A_40 : memref<128x128xf32, #tpu.memory_space<vmem_shared>>) target_semaphore(%run_scoped3A : memref<!tpu.dma_semaphore, #tpu.memory_space<semaphore_mem>>)
      %dma_wait3A = arith.constant 0 : i32
      %dma_wait3A_41 = tpu.memref_slice %arg10[%mul3A_9, %dma_wait3A] : memref<10240x128xf32, #tpu.memory_space<vmem_shared>> -> memref<128x128xf32, #tpu.memory_space<vmem_shared>>
      %dma_wait3A_42 = arith.constant 0 : i32
      %dma_wait3A_43 = tpu.memref_slice %arg10[%mul3A_9, %dma_wait3A_42] : memref<10240x128xf32, #tpu.memory_space<vmem_shared>> -> memref<128x128xf32, #tpu.memory_space<vmem_shared>>
      tpu.wait_dma2 semaphore(%run_scoped3A : memref<!tpu.dma_semaphore, #tpu.memory_space<semaphore_mem>>) src(%arg9 : memref<128x128xf32, #tpu.memory_space<vmem>>) dst(%dma_wait3A_43 : memref<128x128xf32, #tpu.memory_space<vmem_shared>>)
      tpu.yield
    }) : () -> ()
    %mul3A_10 = arith.constant 5 : i32
    %mul3A_11 = arith.muli %arg1, %mul3A_10 : i32
    %add3A_12 = arith.constant 2 : i32
    %add3A_13 = arith.addi %mul3A_11, %add3A_12 : i32
    %mul3A_14 = arith.constant 128 : i32
    %mul3A_15 = arith.muli %add3A_13, %mul3A_14 : i32
    "tpu.region"() ({
      %run_scoped3A = tpu.sem_alloc : memref<!tpu.dma_semaphore, #tpu.memory_space<semaphore_mem>>
      %dma_start3A = arith.constant 0 : i32
      %dma_start3A_38 = tpu.memref_slice %arg10[%mul3A_15, %dma_start3A] : memref<10240x128xf32, #tpu.memory_space<vmem_shared>> -> memref<128x128xf32, #tpu.memory_space<vmem_shared>>
      %dma_start3A_39 = arith.constant 0 : i32
      %dma_start3A_40 = tpu.memref_slice %arg10[%mul3A_15, %dma_start3A_39] : memref<10240x128xf32, #tpu.memory_space<vmem_shared>> -> memref<128x128xf32, #tpu.memory_space<vmem_shared>>
      tpu.enqueue_dma source(%arg9 : memref<128x128xf32, #tpu.memory_space<vmem>>) target(%dma_start3A_40 : memref<128x128xf32, #tpu.memory_space<vmem_shared>>) target_semaphore(%run_scoped3A : memref<!tpu.dma_semaphore, #tpu.memory_space<semaphore_mem>>)
      %dma_wait3A = arith.constant 0 : i32
      %dma_wait3A_41 = tpu.memref_slice %arg10[%mul3A_15, %dma_wait3A] : memref<10240x128xf32, #tpu.memory_space<vmem_shared>> -> memref<128x128xf32, #tpu.memory_space<vmem_shared>>
      %dma_wait3A_42 = arith.constant 0 : i32
      %dma_wait3A_43 = tpu.memref_slice %arg10[%mul3A_15, %dma_wait3A_42] : memref<10240x128xf32, #tpu.memory_space<vmem_shared>> -> memref<128x128xf32, #tpu.memory_space<vmem_shared>>
      tpu.wait_dma2 semaphore(%run_scoped3A : memref<!tpu.dma_semaphore, #tpu.memory_space<semaphore_mem>>) src(%arg9 : memref<128x128xf32, #tpu.memory_space<vmem>>) dst(%dma_wait3A_43 : memref<128x128xf32, #tpu.memory_space<vmem_shared>>)
      tpu.yield
    }) : () -> ()
    %mul3A_16 = arith.constant 5 : i32
    %mul3A_17 = arith.muli %arg1, %mul3A_16 : i32
    %add3A_18 = arith.constant 3 : i32
    %add3A_19 = arith.addi %mul3A_17, %add3A_18 : i32
    %mul3A_20 = arith.constant 128 : i32
    %mul3A_21 = arith.muli %add3A_19, %mul3A_20 : i32
    "tpu.region"() ({
      %run_scoped3A = tpu.sem_alloc : memref<!tpu.dma_semaphore, #tpu.memory_space<semaphore_mem>>
      %dma_start3A = arith.constant 0 : i32
      %dma_start3A_38 = tpu.memref_slice %arg10[%mul3A_21, %dma_start3A] : memref<10240x128xf32, #tpu.memory_space<vmem_shared>> -> memref<128x128xf32, #tpu.memory_space<vmem_shared>>
      %dma_start3A_39 = arith.constant 0 : i32
      %dma_start3A_40 = tpu.memref_slice %arg10[%mul3A_21, %dma_start3A_39] : memref<10240x128xf32, #tpu.memory_space<vmem_shared>> -> memref<128x128xf32, #tpu.memory_space<vmem_shared>>
      tpu.enqueue_dma source(%arg9 : memref<128x128xf32, #tpu.memory_space<vmem>>) target(%dma_start3A_40 : memref<128x128xf32, #tpu.memory_space<vmem_shared>>) target_semaphore(%run_scoped3A : memref<!tpu.dma_semaphore, #tpu.memory_space<semaphore_mem>>)
      %dma_wait3A = arith.constant 0 : i32
      %dma_wait3A_41 = tpu.memref_slice %arg10[%mul3A_21, %dma_wait3A] : memref<10240x128xf32, #tpu.memory_space<vmem_shared>> -> memref<128x128xf32, #tpu.memory_space<vmem_shared>>
      %dma_wait3A_42 = arith.constant 0 : i32
      %dma_wait3A_43 = tpu.memref_slice %arg10[%mul3A_21, %dma_wait3A_42] : memref<10240x128xf32, #tpu.memory_space<vmem_shared>> -> memref<128x128xf32, #tpu.memory_space<vmem_shared>>
      tpu.wait_dma2 semaphore(%run_scoped3A : memref<!tpu.dma_semaphore, #tpu.memory_space<semaphore_mem>>) src(%arg9 : memref<128x128xf32, #tpu.memory_space<vmem>>) dst(%dma_wait3A_43 : memref<128x128xf32, #tpu.memory_space<vmem_shared>>)
      tpu.yield
    }) : () -> ()
    %mul3A_22 = arith.constant 5 : i32
    %mul3A_23 = arith.muli %arg1, %mul3A_22 : i32
    %add3A_24 = arith.constant 4 : i32
    %add3A_25 = arith.addi %mul3A_23, %add3A_24 : i32
    %mul3A_26 = arith.constant 128 : i32
    %mul3A_27 = arith.muli %add3A_25, %mul3A_26 : i32
    "tpu.region"() ({
      %run_scoped3A = tpu.sem_alloc : memref<!tpu.dma_semaphore, #tpu.memory_space<semaphore_mem>>
      %dma_start3A = arith.constant 0 : i32
      %dma_start3A_38 = tpu.memref_slice %arg10[%mul3A_27, %dma_start3A] : memref<10240x128xf32, #tpu.memory_space<vmem_shared>> -> memref<128x128xf32, #tpu.memory_space<vmem_shared>>
      %dma_start3A_39 = arith.constant 0 : i32
      %dma_start3A_40 = tpu.memref_slice %arg10[%mul3A_27, %dma_start3A_39] : memref<10240x128xf32, #tpu.memory_space<vmem_shared>> -> memref<128x128xf32, #tpu.memory_space<vmem_shared>>
      tpu.enqueue_dma source(%arg9 : memref<128x128xf32, #tpu.memory_space<vmem>>) target(%dma_start3A_40 : memref<128x128xf32, #tpu.memory_space<vmem_shared>>) target_semaphore(%run_scoped3A : memref<!tpu.dma_semaphore, #tpu.memory_space<semaphore_mem>>)
      %dma_wait3A = arith.constant 0 : i32
      %dma_wait3A_41 = tpu.memref_slice %arg10[%mul3A_27, %dma_wait3A] : memref<10240x128xf32, #tpu.memory_space<vmem_shared>> -> memref<128x128xf32, #tpu.memory_space<vmem_shared>>
      %dma_wait3A_42 = arith.constant 0 : i32
      %dma_wait3A_43 = tpu.memref_slice %arg10[%mul3A_27, %dma_wait3A_42] : memref<10240x128xf32, #tpu.memory_space<vmem_shared>> -> memref<128x128xf32, #tpu.memory_space<vmem_shared>>
      tpu.wait_dma2 semaphore(%run_scoped3A : memref<!tpu.dma_semaphore, #tpu.memory_space<semaphore_mem>>) src(%arg9 : memref<128x128xf32, #tpu.memory_space<vmem>>) dst(%dma_wait3A_43 : memref<128x128xf32, #tpu.memory_space<vmem_shared>>)
      tpu.yield
    }) : () -> ()
    %barrier3A = arith.constant 0 : index
    tpu.barrier barrier_id(%barrier3A)
    %scan3A = arith.constant 0 : i32
    %scan3A_28 = arith.constant 0 : i32
    %scan3A_29 = arith.constant 79 : i32
    %scan3A_30 = arith.addi %scan3A_28, %scan3A_29 : i32
    %scan3A_31 = arith.constant 1 : i32
    scf.for %scan3A_38 = %scan3A_28 to %scan3A_30 step %scan3A_31  : i32 {
      %dma_start3A = arith.constant 0 : i32
      %dma_start3A_39 = tpu.memref_slice %arg7[%scan3A_38, %dma_start3A] : memref<79x128xi32, #tpu.memory_space<vmem>> -> memref<1x128xi32, #tpu.memory_space<vmem>>
      %dma_start3A_40 = tpu.memref_squeeze %dma_start3A_39 : memref<1x128xi32, #tpu.memory_space<vmem>> -> memref<128xi32, #tpu.memory_space<vmem>>
      %dma_start3A_41 = arith.constant 0 : i32
      %dma_start3A_42 = arith.constant 0 : i32
      %dma_start3A_43 = tpu.memref_slice %arg2[%dma_start3A_41, %dma_start3A_42] : memref<10000x128xf32, #tpu.memory_space<hbm>> -> memref<10000x128xf32, #tpu.memory_space<hbm>>
      tpu.enqueue_indirect_dma source(%dma_start3A_43 : memref<10000x128xf32, #tpu.memory_space<hbm>>) target(%arg9 : memref<128x128xf32, #tpu.memory_space<vmem>>) offsets(%dma_start3A_40 : memref<128xi32, #tpu.memory_space<vmem>>) semaphore(%arg11 : memref<!tpu.dma_semaphore, #tpu.memory_space<semaphore_mem>>)
      %dma_wait3A = arith.constant 0 : i32
      %dma_wait3A_44 = tpu.memref_slice %arg7[%scan3A_38, %dma_wait3A] : memref<79x128xi32, #tpu.memory_space<vmem>> -> memref<1x128xi32, #tpu.memory_space<vmem>>
      %dma_wait3A_45 = tpu.memref_squeeze %dma_wait3A_44 : memref<1x128xi32, #tpu.memory_space<vmem>> -> memref<128xi32, #tpu.memory_space<vmem>>
      %dma_wait3A_46 = arith.constant 0 : i32
      %dma_wait3A_47 = arith.constant 0 : i32
      %dma_wait3A_48 = tpu.memref_slice %arg2[%dma_wait3A_46, %dma_wait3A_47] : memref<10000x128xf32, #tpu.memory_space<hbm>> -> memref<10000x128xf32, #tpu.memory_space<hbm>>
      tpu.wait_indirect_dma semaphore(%arg11 : memref<!tpu.dma_semaphore, #tpu.memory_space<semaphore_mem>>) src(%dma_wait3A_48 : memref<10000x128xf32, #tpu.memory_space<hbm>>) dst(%arg9 : memref<128x128xf32, #tpu.memory_space<vmem>>)
      "tpu.region"() ({
        %run_scoped3A = tpu.sem_alloc : memref<!tpu.dma_semaphore, #tpu.memory_space<semaphore_mem>>
        %dma_start3A_49 = arith.constant 0 : i32
        %dma_start3A_50 = tpu.memref_slice %arg8[%scan3A_38, %dma_start3A_49] : memref<79x128xi32, #tpu.memory_space<vmem>> -> memref<1x128xi32, #tpu.memory_space<vmem>>
        %dma_start3A_51 = tpu.memref_squeeze %dma_start3A_50 : memref<1x128xi32, #tpu.memory_space<vmem>> -> memref<128xi32, #tpu.memory_space<vmem>>
        %dma_start3A_52 = arith.constant 0 : i32
        %dma_start3A_53 = arith.constant 0 : i32
        %dma_start3A_54 = tpu.memref_slice %arg10[%dma_start3A_52, %dma_start3A_53] : memref<10240x128xf32, #tpu.memory_space<vmem_shared>> -> memref<10240x128xf32, #tpu.memory_space<vmem_shared>>
        tpu.enqueue_indirect_dma source(%arg9 : memref<128x128xf32, #tpu.memory_space<vmem>>) target(%dma_start3A_54 : memref<10240x128xf32, #tpu.memory_space<vmem_shared>>) offsets(%dma_start3A_51 : memref<128xi32, #tpu.memory_space<vmem>>) semaphore(%run_scoped3A : memref<!tpu.dma_semaphore, #tpu.memory_space<semaphore_mem>>) {add = true}
        %dma_wait3A_55 = arith.constant 0 : i32
        %dma_wait3A_56 = tpu.memref_slice %arg8[%scan3A_38, %dma_wait3A_55] : memref<79x128xi32, #tpu.memory_space<vmem>> -> memref<1x128xi32, #tpu.memory_space<vmem>>
        %dma_wait3A_57 = tpu.memref_squeeze %dma_wait3A_56 : memref<1x128xi32, #tpu.memory_space<vmem>> -> memref<128xi32, #tpu.memory_space<vmem>>
        %dma_wait3A_58 = arith.constant 0 : i32
        %dma_wait3A_59 = arith.constant 0 : i32
        %dma_wait3A_60 = tpu.memref_slice %arg10[%dma_wait3A_58, %dma_wait3A_59] : memref<10240x128xf32, #tpu.memory_space<vmem_shared>> -> memref<10240x128xf32, #tpu.memory_space<vmem_shared>>
        tpu.wait_indirect_dma semaphore(%run_scoped3A : memref<!tpu.dma_semaphore, #tpu.memory_space<semaphore_mem>>) src(%arg9 : memref<128x128xf32, #tpu.memory_space<vmem>>) dst(%dma_wait3A_60 : memref<10240x128xf32, #tpu.memory_space<vmem_shared>>)
        tpu.yield
      }) : () -> ()
    }
    %scan3A_32 = arith.constant 79 : i32
    %barrier3A_33 = arith.constant 0 : index
    tpu.barrier barrier_id(%barrier3A_33)
    %mul3A_34 = arith.constant 640 : i32
    %mul3A_35 = arith.muli %arg1, %mul3A_34 : i32
    %mul3A_36 = arith.constant 640 : i32
    %mul3A_37 = arith.muli %arg1, %mul3A_36 : i32
    "tpu.region"() ({
      %run_scoped3A = tpu.sem_alloc : memref<!tpu.dma_semaphore, #tpu.memory_space<semaphore_mem>>
      %dma_start3A = arith.constant 0 : i32
      %dma_start3A_38 = tpu.memref_slice %arg6[%arg0, %mul3A_37, %dma_start3A] : memref<2x10240x128xf32, #tpu.memory_space<hbm>> -> memref<1x640x128xf32, #tpu.memory_space<hbm>>
      %dma_start3A_39 = tpu.memref_squeeze %dma_start3A_38 : memref<1x640x128xf32, #tpu.memory_space<hbm>> -> memref<640x128xf32, #tpu.memory_space<hbm>>
      %dma_start3A_40 = arith.constant 0 : i32
      %dma_start3A_41 = tpu.memref_slice %arg10[%mul3A_35, %dma_start3A_40] : memref<10240x128xf32, #tpu.memory_space<vmem_shared>> -> memref<640x128xf32, #tpu.memory_space<vmem_shared>>
      tpu.enqueue_dma source(%dma_start3A_41 : memref<640x128xf32, #tpu.memory_space<vmem_shared>>) target(%dma_start3A_39 : memref<640x128xf32, #tpu.memory_space<hbm>>) target_semaphore(%run_scoped3A : memref<!tpu.dma_semaphore, #tpu.memory_space<semaphore_mem>>)
      %dma_wait3A = arith.constant 0 : i32
      %dma_wait3A_42 = tpu.memref_slice %arg6[%arg0, %mul3A_37, %dma_wait3A] : memref<2x10240x128xf32, #tpu.memory_space<hbm>> -> memref<1x640x128xf32, #tpu.memory_space<hbm>>
      %dma_wait3A_43 = tpu.memref_squeeze %dma_wait3A_42 : memref<1x640x128xf32, #tpu.memory_space<hbm>> -> memref<640x128xf32, #tpu.memory_space<hbm>>
      %dma_wait3A_44 = arith.constant 0 : i32
      %dma_wait3A_45 = tpu.memref_slice %arg10[%mul3A_35, %dma_wait3A_44] : memref<10240x128xf32, #tpu.memory_space<vmem_shared>> -> memref<640x128xf32, #tpu.memory_space<vmem_shared>>
      tpu.wait_dma2 semaphore(%run_scoped3A : memref<!tpu.dma_semaphore, #tpu.memory_space<semaphore_mem>>) src(%dma_wait3A_45 : memref<640x128xf32, #tpu.memory_space<vmem_shared>>) dst(%dma_wait3A_43 : memref<640x128xf32, #tpu.memory_space<hbm>>)
      tpu.yield
    }) : () -> ()
    return
  }
}

module attributes {stable_mosaic.version = 14 : i64} {
  func.func @_fuse_body(%arg0: i32, %arg1: memref<1000x128xf32, #tpu.memory_space<vmem>>, %arg2: memref<128x128xf32, #tpu.memory_space<vmem>>, %arg3: memref<1x128xf32, #tpu.memory_space<vmem>>, %arg4: memref<1000x128xf32, #tpu.memory_space<vmem>>) attributes {dimension_semantics = [#tpu.dimension_semantics<arbitrary>], iteration_bounds = array<i64: 10>, scalar_prefetch = 0 : i64, scratch_operands = 0 : i64, tpu.core_type = #tpu.core_type<tc>, window_params = [{transform_indices = @transform_0, window_bounds = array<i64: 1000, 128>}, {pipeline_mode = #tpu.pipeline_mode<synchronous>, transform_indices = @transform_1, window_bounds = array<i64: 128, 128>}, {pipeline_mode = #tpu.pipeline_mode<synchronous>, transform_indices = @transform_2, window_bounds = array<i64: 1, 128>}, {transform_indices = @transform_3, window_bounds = array<i64: 1000, 128>}]} {
    %get3A = arith.constant 0 : index
    %get3A_0 = arith.constant 0 : index
    %get3A_1 = vector.load %arg1[%get3A, %get3A_0] : memref<1000x128xf32, #tpu.memory_space<vmem>>, vector<1000x128xf32>
    %get3A_2 = arith.constant 0 : index
    %get3A_3 = arith.constant 0 : index
    %get3A_4 = vector.load %arg2[%get3A_2, %get3A_3] : memref<128x128xf32, #tpu.memory_space<vmem>>, vector<128x128xf32>
    %dot_general3A = arith.constant dense<0.000000e+00> : vector<1000x128xf32>
    %dot_general3A_5 = tpu.matmul %get3A_1, %get3A_4, %dot_general3A {dimension_numbers = #tpu.dot_dimension_numbers<[1], [0], [0], [1], [0, 0, 1, 1], [], []>, transpose_lhs_hint = false} : vector<1000x128xf32>, vector<128x128xf32>, vector<1000x128xf32> -> vector<1000x128xf32>
    %get3A_6 = arith.constant 0 : index
    %get3A_7 = arith.constant 0 : index
    %get3A_8 = vector.load %arg3[%get3A_6, %get3A_7] : memref<1x128xf32, #tpu.memory_space<vmem>>, vector<1x128xf32>
    %add3A = vector.broadcast %get3A_8 : vector<1x128xf32> to vector<1000x128xf32>
    %add3A_9 = arith.addf %dot_general3A_5, %add3A : vector<1000x128xf32>
    %max3A = arith.constant 0.000000e+00 : f32
    %max3A_10 = vector.broadcast %max3A : f32 to vector<1000x128xf32>
    %max3A_11 = arith.maximumf %add3A_9, %max3A_10 : vector<1000x128xf32>
    %swap3A = arith.constant 0 : index
    %swap3A_12 = arith.constant 0 : index
    %swap3A_13 = vector.load %arg4[%swap3A, %swap3A_12] : memref<1000x128xf32, #tpu.memory_space<vmem>>, vector<1000x128xf32>
    tpu.vector_store %arg4[%swap3A, %swap3A_12], %max3A_11 {strides = array<i32>} : memref<1000x128xf32, #tpu.memory_space<vmem>>, vector<1000x128xf32>,
    return
  }
  func.func @transform_0(%arg0: i32) -> (i32, i32) {
    %c0_i32 = arith.constant 0 : i32
    %c0_i32_0 = arith.constant 0 : i32
    return %arg0, %c0_i32 : i32, i32
  }
  func.func @transform_1(%arg0: i32) -> (i32, i32) {
    %c0_i32 = arith.constant 0 : i32
    %c0_i32_0 = arith.constant 0 : i32
    %c0_i32_1 = arith.constant 0 : i32
    return %c0_i32, %c0_i32_0 : i32, i32
  }
  func.func @transform_2(%arg0: i32) -> (i32, i32) {
    %c0_i32 = arith.constant 0 : i32
    %c0_i32_0 = arith.constant 0 : i32
    %c0_i32_1 = arith.constant 0 : i32
    return %c0_i32, %c0_i32_0 : i32, i32
  }
  func.func @transform_3(%arg0: i32) -> (i32, i32) {
    %c0_i32 = arith.constant 0 : i32
    %c0_i32_0 = arith.constant 0 : i32
    return %arg0, %c0_i32 : i32, i32
  }
}

module attributes {stable_mosaic.version = 14 : i64} {
  func.func @_out_body(%arg0: i32, %arg1: memref<1000x128xf32, #tpu.memory_space<vmem>>, %arg2: memref<1000x128xf32, #tpu.memory_space<vmem>>, %arg3: memref<1000x128xf32, #tpu.memory_space<vmem>>, %arg4: memref<128x128xf32, #tpu.memory_space<vmem>>, %arg5: memref<128x128xf32, #tpu.memory_space<vmem>>, %arg6: memref<128x128xf32, #tpu.memory_space<vmem>>, %arg7: memref<1x128xf32, #tpu.memory_space<vmem>>, %arg8: memref<128x64xf32, #tpu.memory_space<vmem>>, %arg9: memref<1x64xf32, #tpu.memory_space<vmem>>, %arg10: memref<1000x64xf32, #tpu.memory_space<vmem>>) attributes {dimension_semantics = [#tpu.dimension_semantics<arbitrary>], iteration_bounds = array<i64: 10>, scalar_prefetch = 0 : i64, scratch_operands = 0 : i64, tpu.core_type = #tpu.core_type<tc>, window_params = [{transform_indices = @transform_0, window_bounds = array<i64: 1000, 128>}, {transform_indices = @transform_1, window_bounds = array<i64: 1000, 128>}, {transform_indices = @transform_2, window_bounds = array<i64: 1000, 128>}, {pipeline_mode = #tpu.pipeline_mode<synchronous>, transform_indices = @transform_3, window_bounds = array<i64: 128, 128>}, {pipeline_mode = #tpu.pipeline_mode<synchronous>, transform_indices = @transform_4, window_bounds = array<i64: 128, 128>}, {pipeline_mode = #tpu.pipeline_mode<synchronous>, transform_indices = @transform_5, window_bounds = array<i64: 128, 128>}, {pipeline_mode = #tpu.pipeline_mode<synchronous>, transform_indices = @transform_6, window_bounds = array<i64: 1, 128>}, {pipeline_mode = #tpu.pipeline_mode<synchronous>, transform_indices = @transform_7, window_bounds = array<i64: 128, 64>}, {pipeline_mode = #tpu.pipeline_mode<synchronous>, transform_indices = @transform_8, window_bounds = array<i64: 1, 64>}, {transform_indices = @transform_9, window_bounds = array<i64: 1000, 64>}]} {
    %get3A = arith.constant 0 : index
    %get3A_0 = arith.constant 0 : index
    %get3A_1 = vector.load %arg2[%get3A, %get3A_0] : memref<1000x128xf32, #tpu.memory_space<vmem>>, vector<1000x128xf32>
    %get3A_2 = arith.constant 0 : index
    %get3A_3 = arith.constant 0 : index
    %get3A_4 = vector.load %arg3[%get3A_2, %get3A_3] : memref<1000x128xf32, #tpu.memory_space<vmem>>, vector<1000x128xf32>
    %add3A = arith.addf %get3A_1, %get3A_4 : vector<1000x128xf32>
    %get3A_5 = arith.constant 0 : index
    %get3A_6 = arith.constant 0 : index
    %get3A_7 = vector.load %arg4[%get3A_5, %get3A_6] : memref<128x128xf32, #tpu.memory_space<vmem>>, vector<128x128xf32>
    %get3A_8 = arith.constant 0 : index
    %get3A_9 = arith.constant 0 : index
    %get3A_10 = vector.load %arg6[%get3A_8, %get3A_9] : memref<128x128xf32, #tpu.memory_space<vmem>>, vector<128x128xf32>
    %dot_general3A = arith.constant dense<0.000000e+00> : vector<128x128xf32>
    %dot_general3A_11 = tpu.matmul %get3A_7, %get3A_10, %dot_general3A {dimension_numbers = #tpu.dot_dimension_numbers<[1], [0], [0], [1], [0, 0, 1, 1], [], []>, transpose_lhs_hint = false} : vector<128x128xf32>, vector<128x128xf32>, vector<128x128xf32> -> vector<128x128xf32>
    %get3A_12 = arith.constant 0 : index
    %get3A_13 = arith.constant 0 : index
    %get3A_14 = vector.load %arg1[%get3A_12, %get3A_13] : memref<1000x128xf32, #tpu.memory_space<vmem>>, vector<1000x128xf32>
    %get3A_15 = arith.constant 0 : index
    %get3A_16 = arith.constant 0 : index
    %get3A_17 = vector.load %arg5[%get3A_15, %get3A_16] : memref<128x128xf32, #tpu.memory_space<vmem>>, vector<128x128xf32>
    %dot_general3A_18 = arith.constant dense<0.000000e+00> : vector<1000x128xf32>
    %dot_general3A_19 = tpu.matmul %get3A_14, %get3A_17, %dot_general3A_18 {dimension_numbers = #tpu.dot_dimension_numbers<[1], [0], [0], [1], [0, 0, 1, 1], [], []>, transpose_lhs_hint = false} : vector<1000x128xf32>, vector<128x128xf32>, vector<1000x128xf32> -> vector<1000x128xf32>
    %dot_general3A_20 = arith.constant dense<0.000000e+00> : vector<1000x128xf32>
    %dot_general3A_21 = tpu.matmul %add3A, %dot_general3A_11, %dot_general3A_20 {dimension_numbers = #tpu.dot_dimension_numbers<[1], [0], [0], [1], [0, 0, 1, 1], [], []>, transpose_lhs_hint = false} : vector<1000x128xf32>, vector<128x128xf32>, vector<1000x128xf32> -> vector<1000x128xf32>
    %add3A_22 = arith.addf %dot_general3A_19, %dot_general3A_21 : vector<1000x128xf32>
    %get3A_23 = arith.constant 0 : index
    %get3A_24 = arith.constant 0 : index
    %get3A_25 = vector.load %arg7[%get3A_23, %get3A_24] : memref<1x128xf32, #tpu.memory_space<vmem>>, vector<1x128xf32>
    %add3A_26 = vector.broadcast %get3A_25 : vector<1x128xf32> to vector<1000x128xf32>
    %add3A_27 = arith.addf %add3A_22, %add3A_26 : vector<1000x128xf32>
    %max3A = arith.constant 0.000000e+00 : f32
    %max3A_28 = vector.broadcast %max3A : f32 to vector<1000x128xf32>
    %max3A_29 = arith.maximumf %add3A_27, %max3A_28 : vector<1000x128xf32>
    %get3A_30 = arith.constant 0 : index
    %get3A_31 = arith.constant 0 : index
    %get3A_32 = vector.load %arg8[%get3A_30, %get3A_31] : memref<128x64xf32, #tpu.memory_space<vmem>>, vector<128x64xf32>
    %dot_general3A_33 = arith.constant dense<0.000000e+00> : vector<1000x64xf32>
    %dot_general3A_34 = tpu.matmul %max3A_29, %get3A_32, %dot_general3A_33 {dimension_numbers = #tpu.dot_dimension_numbers<[1], [0], [0], [1], [0, 0, 1, 1], [], []>, transpose_lhs_hint = false} : vector<1000x128xf32>, vector<128x64xf32>, vector<1000x64xf32> -> vector<1000x64xf32>
    %get3A_35 = arith.constant 0 : index
    %get3A_36 = arith.constant 0 : index
    %get3A_37 = vector.load %arg9[%get3A_35, %get3A_36] : memref<1x64xf32, #tpu.memory_space<vmem>>, vector<1x64xf32>
    %add3A_38 = vector.broadcast %get3A_37 : vector<1x64xf32> to vector<1000x64xf32>
    %add3A_39 = arith.addf %dot_general3A_34, %add3A_38 : vector<1000x64xf32>
    %swap3A = arith.constant 0 : index
    %swap3A_40 = arith.constant 0 : index
    %swap3A_41 = vector.load %arg10[%swap3A, %swap3A_40] : memref<1000x64xf32, #tpu.memory_space<vmem>>, vector<1000x64xf32>
    tpu.vector_store %arg10[%swap3A, %swap3A_40], %add3A_39 {strides = array<i32>} : memref<1000x64xf32, #tpu.memory_space<vmem>>, vector<1000x64xf32>,
    return
  }
  func.func @transform_0(%arg0: i32) -> (i32, i32) {
    %c0_i32 = arith.constant 0 : i32
    %c0_i32_0 = arith.constant 0 : i32
    return %arg0, %c0_i32 : i32, i32
  }
  func.func @transform_1(%arg0: i32) -> (i32, i32) {
    %c0_i32 = arith.constant 0 : i32
    %c0_i32_0 = arith.constant 0 : i32
    return %arg0, %c0_i32 : i32, i32
  }
  func.func @transform_2(%arg0: i32) -> (i32, i32) {
    %c0_i32 = arith.constant 0 : i32
    %c0_i32_0 = arith.constant 0 : i32
    return %arg0, %c0_i32 : i32, i32
  }
  func.func @transform_3(%arg0: i32) -> (i32, i32) {
    %c0_i32 = arith.constant 0 : i32
    %c0_i32_0 = arith.constant 0 : i32
    %c0_i32_1 = arith.constant 0 : i32
    return %c0_i32, %c0_i32_0 : i32, i32
  }
  func.func @transform_4(%arg0: i32) -> (i32, i32) {
    %c0_i32 = arith.constant 0 : i32
    %c0_i32_0 = arith.constant 0 : i32
    %c0_i32_1 = arith.constant 0 : i32
    return %c0_i32, %c0_i32_0 : i32, i32
  }
  func.func @transform_5(%arg0: i32) -> (i32, i32) {
    %c0_i32 = arith.constant 0 : i32
    %c0_i32_0 = arith.constant 0 : i32
    %c0_i32_1 = arith.constant 0 : i32
    return %c0_i32, %c0_i32_0 : i32, i32
  }
  func.func @transform_6(%arg0: i32) -> (i32, i32) {
    %c0_i32 = arith.constant 0 : i32
    %c0_i32_0 = arith.constant 0 : i32
    %c0_i32_1 = arith.constant 0 : i32
    return %c0_i32, %c0_i32_0 : i32, i32
  }
  func.func @transform_7(%arg0: i32) -> (i32, i32) {
    %c0_i32 = arith.constant 0 : i32
    %c0_i32_0 = arith.constant 0 : i32
    %c0_i32_1 = arith.constant 0 : i32
    return %c0_i32, %c0_i32_0 : i32, i32
  }
  func.func @transform_8(%arg0: i32) -> (i32, i32) {
    %c0_i32 = arith.constant 0 : i32
    %c0_i32_0 = arith.constant 0 : i32
    %c0_i32_1 = arith.constant 0 : i32
    return %c0_i32, %c0_i32_0 : i32, i32
  }
  func.func @transform_9(%arg0: i32) -> (i32, i32) {
    %c0_i32 = arith.constant 0 : i32
    %c0_i32_0 = arith.constant 0 : i32
    return %arg0, %c0_i32 : i32, i32
  }
}

</mosaic_0001>

<sc_bundles>
// kernel: kernel.5.cloned.1.call-start
scs
__scs_entry_jumppad:
0x0: {  	(pc) =	sbr.rel $0x88, $3  }
0x1: {  	(tag) =	ssettag $0x0;
	lr =	simm.s32 $0x1  }
0x2: {  	[smem:$0x3F98] =	sst lr;
	_ =	strace $0xD0000000  }
0x3: {  	_ = 	snop  }
0x4: {  	_ = 	snop  }
0x5: {  	_ = 	snop  }
0x6: {  	_ = 	snop  }
0x7: {  	_ = 	snop  }
__scs_overlays_trampoline_lowered:
0x8: {  	[smem:$0x3FA7] =	sst s0  }
0x9: {  	[smem:$0x3FA8] =	sst s1  }
0xa: {  	[smem:$0x3FA9] =	sst s2  }
0xb: {  	[smem:$0x3FAA] =	sst s3  }
0xc: {  	[smem:$0x3FAB] =	sst s4  }
0xd: {  	[smem:$0x3FAC] =	sst s5  }
0xe: {  	[smem:$0x3FAD] =	sst s6  }
0xf: {  	[smem:$0x3FAE] =	sst s7  }
0x10: {  	[smem:$0x3FAF] =	sst s8  }
0x11: {  	[smem:$0x3FB0] =	sst s9;
	s0 =	simm.s32 @!p0 $0x0  }
0x12: {  	s1 =	sld [smem:$0x3F96];
	s0 =	simm.s32 @p0 $0x1  }
0x13: {  	[smem:$0x3FB1] =	sst s0;
	s0 =	simm.s32 @!p1 $0x0  }
0x14: {  	s2 =	sld [smem:$0x3F95];
	s0 =	simm.s32 @p1 $0x1  }
0x15: {  	[smem:$0x3FB2] =	sst s0;
	s0 =	simm.s32 @!p2 $0x0  }
0x16: {  	s3 =	sld [smem:$0x3FDB];
	s0 =	simm.s32 @p2 $0x1  }
0x17: {  	s4 =	simm.s32 $0x1BF5;
	[smem:$0x3FB4] =	sst s0  }
0x18: {  	s0 =	sld [smem:$0x3F97];
	_ =	swait.ge [sflag:s4], $0x0  }
0x19: {  	s7 =	sld [smem:$0x3F98]  }
0x1a: {  	s8 =	sadd.s32 $0xFFFFE003, lr  }
0x1b: {  	s9 =	sadd.s32 $0xFFFFFEF7, lr;
	s5 =	simm.s32 $0xFFFFFFFF;
	p2 =	slt.u32 s8, $0xFFFFF086  }
0x1c: {  	p1 =	slt.u32 s9, $0xF7A;
	s5 =	simm.s32 @!p2 $0x0  }
0x1d: {  	s5 =	simm.s32 @p1 $0x1;
	p0 =	seq.s32 s7, s2  }
0x1e: {  	s7 =	smul.u32 @!p0 $0xF7A, s2;
	p2 =	seq.s32 @!p0 s5, $0x0  }
0x1f: {  	s9 =	smul.u32 $0xF7A, s1;
	s8 =	simm.s32 @!p0 $0x1BF5;
	p2 =	por !p2, p0  }
0x20: {  	[sflag:s8] =	ssyncset.s32 @!p0 $0xFFFFF086;
	s6 =	sadd.s32 @!p0 s3, s7;
	s7 =	simm.s32 @!p0 $0x108  }
0x21: {  	s3 =	sadd.s32 s3, s9;
	s6 =	sadd.s32 @!p0 $0x88, s6;
	s7 =	simm.s32 @p2 $0x1082  }
0x22: {  	[simem:s7], [sflag:s8] =	dma.local @!p0 [hbm:s6], $0xF7A  }
0x23: {  	s9 =	sor.u32 $0xD0000000, s2;
	s6 =	simm.s32 $0x108;
	_ =	swait.ge @!p0 [sflag:s8], $0x0  }
0x24: {  	s3 =	sadd.s32 $0x88, s3;
	s6 =	simm.s32 @!p1 $0x1082;
	[sflag:s4] =	ssyncset.s32 $0xFFFFF086  }
0x25: {  	[simem:s6], [sflag:s4] =	dma.local [hbm:s3], $0xF7A  }
0x26: {  	[smem:$0x3F98] =	sst s1;
	(tag) =	ssettag s2;
	_ =	strace s9  }
0x27: {  	s1 =	sld [smem:$0x3FA8]  }
0x28: {  	s2 =	sld [smem:$0x3FA9]  }
0x29: {  	s4 =	sld [smem:$0x3FAB]  }
0x2a: {  	p0 =	seq.s32 s5, $0x0;
	s5 =	sld [smem:$0x3FAC]  }
0x2b: {  	s6 =	sld [smem:$0x3FAD]  }
0x2c: {  	s7 =	sld [smem:$0x3FAE]  }
0x2d: {  	s3 =	simm.s32 $0x108;
	s8 =	sld [smem:$0x3FAF]  }
0x2e: {  	s3 =	simm.s32 @!p0 $0x1082;
	s9 =	sld [smem:$0x3FB0]  }
0x2f: {  	lr =	sadd.s32 s0, s3;
	s0 =	sld [smem:$0x3FA7]  }
0x30: {  	s3 =	sld [smem:$0x3FAA]  }
0x31: {  	[smem:$0x3FB3] =	sst s10  }
0x32: {  	s10 =	sld [smem:$0x3FB1];
	_ =	sdelay $0x3  }
0x33: {  	p0 =	seq.s32 s10, $0x1;
	s10 =	sld [smem:$0x3FB3];
	_ =	sdelay $0x3  }
0x34: {  	[smem:$0x3FB3] =	sst s10  }
0x35: {  	s10 =	sld [smem:$0x3FB2];
	_ =	sdelay $0x3  }
0x36: {  	p1 =	seq.s32 s10, $0x1;
	s10 =	sld [smem:$0x3FB3];
	_ =	sdelay $0x3  }
0x37: {  	[smem:$0x3FB3] =	sst s10  }
0x38: {  	s10 =	sld [smem:$0x3FB4]  }
0x39: {  	_ = 	snop;
	(pc) =	sbr.ind lr, $3  }
0x3a: {  	_ = 	snop  }
0x3b: {  	_ = 	snop  }
0x3c: {  	p2 =	seq.s32 s10, $0x1;
	s10 =	sld [smem:$0x3FB3]  }
0x3d: {  	_ =	shalt  }
0x3e: {  	_ =	shalt  }
0x3f: {  	_ =	shalt  }
0x40: {  	_ =	shalt  }
0x41: {  	_ =	shalt  }
0x42: {  	_ =	shalt  }
0x43: {  	_ =	shalt  }
0x44: {  	_ =	shalt  }
0x45: {  	_ =	shalt  }
0x46: {  	_ =	shalt  }
0x47: {  	_ =	shalt  }
0x48: {  	_ =	shalt  }
0x49: {  	_ =	shalt  }
0x4a: {  	_ =	shalt  }
0x4b: {  	_ =	shalt  }
0x4c: {  	_ =	shalt  }
0x4d: {  	_ =	shalt  }
0x4e: {  	_ =	shalt  }
0x4f: {  	_ =	shalt  }
0x50: {  	_ =	shalt  }
0x51: {  	_ =	shalt  }
0x52: {  	_ =	shalt  }
0x53: {  	_ =	shalt  }
0x54: {  	_ =	shalt  }
0x55: {  	_ =	shalt  }
0x56: {  	_ =	shalt  }
0x57: {  	_ =	shalt  }
0x58: {  	_ =	shalt  }
0x59: {  	_ =	shalt  }
0x5a: {  	_ =	shalt  }
0x5b: {  	_ =	shalt  }
0x5c: {  	_ =	shalt  }
0x5d: {  	_ =	shalt  }
0x5e: {  	_ =	shalt  }
0x5f: {  	_ =	shalt  }
0x60: {  	_ =	shalt  }
0x61: {  	_ =	shalt  }
0x62: {  	_ =	shalt  }
0x63: {  	_ =	shalt  }
0x64: {  	_ =	shalt  }
0x65: {  	_ =	shalt  }
0x66: {  	_ =	shalt  }
0x67: {  	_ =	shalt  }
0x68: {  	_ =	shalt  }
0x69: {  	_ =	shalt  }
0x6a: {  	_ =	shalt  }
0x6b: {  	_ =	shalt  }
0x6c: {  	_ =	shalt  }
0x6d: {  	_ =	shalt  }
0x6e: {  	_ =	shalt  }
0x6f: {  	_ =	shalt  }
0x70: {  	_ =	shalt  }
0x71: {  	_ =	shalt  }
0x72: {  	_ =	shalt  }
0x73: {  	_ =	shalt  }
0x74: {  	_ =	shalt  }
0x75: {  	_ =	shalt  }
0x76: {  	_ =	shalt  }
0x77: {  	_ =	shalt  }
0x78: {  	_ =	shalt  }
0x79: {  	_ =	shalt  }
0x7a: {  	_ =	shalt  }
0x7b: {  	_ =	shalt  }
0x7c: {  	_ =	shalt  }
0x7d: {  	_ =	shalt  }
0x7e: {  	_ =	shalt  }
0x7f: {  	_ =	shalt  }
0x80: {  	_ =	shalt  }
0x81: {  	_ =	shalt  }
0x82: {  	_ =	shalt  }
0x83: {  	_ =	shalt  }
0x84: {  	_ =	shalt  }
0x85: {  	_ =	shalt  }
0x86: {  	_ =	shalt  }
0x87: {  	_ =	shalt  }
.Lfunc_end0:
.L_simem_size_0:
called_computation_lowered:
.L_overlay_start_0:
0x88: {  	s2 =	sld [smem:$0x3FD9]  }
0x89: {  	s3 =	sld [smem:$0x3FFE];
	_ =	sdelay $0x1  }
0x8a: {  	s1 =	srdreg.scid  }
0x8b: {  	s0 =	sand.u32 $0x1, s1  }
0x8c: {  	s17 =	sshll.u32 s0, $0xA;
	s2 =	sadd.s32 s3, s2  }
0x8d: {  	s2 =	sadd.s32 s2, s17  }
0x8e: {  	[smem:$0x3FBF] =	sst s2  }
0x8f: {  	_ = 	snop  }
0x90: {  	s2 =	sld [smem:$0x3FD0];
	(tm) =	ssettm $0x1  }
0x91: {  	s18 =	sld [smem:$0x3FFB];
	_ =	sdelay $0x3  }
0x92: {  	_ =	strace s18  }
0x93: {  	s3 =	sld [smem:$0x3FFC];
	_ =	sdelay $0x3  }
0x94: {  	_ =	strace s3  }
0x95: {  	s3 =	sld [smem:$0x3FFD];
	_ =	sdelay $0x3  }
0x96: {  	_ =	strace s3  }
0x97: {  	_ =	strace $0x8FFFFFFF  }
0x98: {  	s19 =	sld [smem:$0x3FDB];
	_ =	sdelay $0x1  }
0x99: {  	s4 =	simm.s32 $_scs_section_size  }
0x9a: {  	s5 =	simm.s32 $_size__tile_overlayer_lowered;
	s6 =	simm.s32 $_tile_overlayer_lowered  }
0x9b: {  	s22 =	simm.s32 $0x1BFF;
	s21 =	sshll.u32 s6, $0x1;
	s3 =	sadd.s32 s4, s19  }
0x9c: {  	s7 =	simm.s32 $0x0;
	s20 =	sshll.u32 s5, $0x1;
	s5 =	sadd.s32 s21, s3  }
0x9d: {  	[timem:s7], [sflag:s22] =	dma.local [hbm:s5], s20  }
0x9e: {  	_ =	swait.ge [sflag:s22], s20  }
0x9f: {  	s4 =	ssub.s32 $0x0, s20;
	[sflag:s22] =	ssyncset.done $0x0  }
0xa0: {  	[sflag:s22] =	ssyncadd.s32 s4;
	_ =	sdelay $0x1  }
0xa1: {  	s23 =	simm.s32 $0x1B8B  }
0xa2: {  	_ =	swait.ge [sflag:s23], $0x1  }
0xa3: {  	[sflag:s23] =	ssyncset.done $0x0  }
0xa4: {  	s25 =	simm.s32 $0x1B8E;
	s24 =	sld [smem:$0x3FFE];
	[sflag:s23] =	ssyncadd.s32 $0xFFFFFFFF  }
0xa5: {  	s26 =	simm.s32 $execute0_lowered;
	[smem:$0x3FD2] =	sst s25  }
0xa6: {  	s5 =	sshll.u32 s26, $0x1;
	_ =	strace $0x80000046;
	[dreg:$0x1] =	wrdreg $0xFFFFFFFF  }
0xa7: {  	s28 =	simm.s32 $_size_execute0_lowered;
	s3 =	sadd.s32 s3, s5;
	[dreg:$0x0] =	wrdreg $0x0  }
0xa8: {  	s5 =	sshll.u32 s28, $0x1;
	[dreg:$0x2] =	wrdreg s3  }
0xa9: {  	[dreg:$0x3] =	wrdreg s5  }
0xaa: {  	[dreg:$0x4] =	wrdreg $0xC0  }
0xab: {  	_ =	task [dreg:s7], $0x5FFFF  }
0xac: {  	[dreg:$0x1] =	wrdreg $0xFFFFFFFF  }
0xad: {  	[dreg:$0x0] =	wrdreg $0x60  }
0xae: {  	[dreg:$0x2] =	wrdreg s24  }
0xaf: {  	[dreg:$0x3] =	wrdreg s2  }
0xb0: {  	[dreg:$0x4] =	wrdreg $0x90000  }
0xb1: {  	[dreg:$0x5] =	wrdreg $0x9  }
0xb2: {  	_ =	task.clear_ibuf [dreg:s7], $0x6FFFF;
	_ =	strace $0x90000046  }
0xb3: {  	s29 =	simm.s32 $0x9;
	_ =	strace $0x80000048  }
0xb4: {  	_ =	swait.ge [sflag:s29], $0x1  }
0xb5: {  	[sflag:s29] =	ssyncadd.s32 $0xFFFFFFFF  }
0xb6: {  	_ =	strace $0x90000048  }
0xb7: {  	_ =	sfence  }
0xb8: {  	s30 =	sld [smem:$0x0];
	_ =	sdelay $0x2  }
0xb9: {  	s31 =	sshll.u32 s1, $0xD;
	s1 =	sshrl.u32 s1, $0x2  }
0xba: {  	s3 =	sand.u32 $0x4000, s31;
	s1 =	sadd.s32 s1, s30  }
0xbb: {  	s0 =	sor.u32 s3, s0;
	s1 =	sshll.u32 s1, $0x11  }
0xbc: {  	s0 =	sor.u32 s1, s0  }
0xbd: {  	s0 =	sadd.s32 $0x8F2B, s0  }
0xbe: {  	[sflag:s0] =	ssyncadd.remote.s32 $0x1  }
0xbf: {  	_ =	sfence.sel $0xFFFF  }
0xc0: {  	[dreg:$0x0] =	wrdreg $0xFFFFFFFF;
	(pc) =	sbr.abs _section_cstart, $3  }
0xc1: {  	[dreg:$0x1] =	wrdreg $0xFFFFFFFF  }
0xc2: {  	_ =	task.clear_ibuf [dreg:s7], $0x2FFFF;
	_ =	strace $0x9FFFFFFF  }
0xc3: {  	(tm) =	ssettm $0x7FFFFFFF  }
tec
execute0_lowered:
.L_overlay_start_1:
0x0: {  	(tag) =	ssettag $0x1  }
0x1: {  	s6 =	rddreg [dreg:$0x0]  }
0x2: {  	s7 =	rddreg [dreg:$0x1]  }
0x3: {  	s0 =	srdreg.scid;
	s2 =	rddreg [dreg:$0x2]  }
0x4: {  	s1 =	rddreg [dreg:$0x3];
	s5 =	sand.u32 $0x1, s0  }
0x5: {  	s3 =	simm.s32 $0x0;
	s0 =	stileid.u32;
	s4 =	smul.u32 $0x28000, s5  }
0x6: {  	s16 =	simm.s32 $0x2800;
	s17 =	simm.s32 $0x5000;
	s8 =	smul.u32 $0x2800, s0  }
0x7: {  	s18 =	simm.s32 $0x80;
	s19 =	simm.s32 $0x1;
	s29 =	smul.u32 $0x140000, s5  }
0x8: {  	s22 =	simm.s32 $0x0;
	[smem:$0x7FF] =	sst s3;
	s10 =	smul.u32 $0x14000, s0  }
0x9: {  	_ =	strace $0x80000047;
	s30 =	ssub.s32 $0x2, s5;
	s12 =	smul.u32 $0x50000, s0  }
0xa: {  	s5 =	sadd.s32 $0x33200, s6;
	s20 =	sshll.u32 s0, $0x6;
	s13 =	sshrl.u32 s30, $0x1  }
0xb: {  	s20 =	sor.u32 $0x1C02, s20;
	s4 =	sadd.s32 s8, s4;
	s8 =	sadd.s32 s10, s29  }
0xc: {  	s15 =	ssub.s32 s30, s13;
	s31 =	sshrl.u32 s12, $0x2;
	s9 =	sshrl.u32 s4, $0x3  }
0xd: {  	s4 =	sadd.s32 $0xC000, s6;
	s8 =	sshrl.u32 s8, $0x3;
	s11 =	sadd.s32 s9, s6  }
0xe: {  	s14 =	sadd.s32 s8, s6;
	s6 =	sadd.s32 s7, s9;
	s8 =	sadd.s32 s31, s2  }
0xf: {  	s7 =	sadd.s32 $0x2000, s11;
	s9 =	sadd.s32 $0x4000, s8;
	s10 =	sadd.s32 $0x8000, s8  }
0x10: {  	s11 =	sadd.s32 $0xC000, s8;
	s12 =	sadd.s32 $0x10000, s8;
	s13 =	sadd.s32 $0x33A00, s14  }
0x11: {  	s14 =	smax.u32 s15, $0x1;
	s15 =	simm.s32 $0x2;
	s21 =	sshrl.u32 s8, $0x3  }
.LBB2_1:
0x12: {  	[tilespmem:s3], [sflag:$0x2] =	stream.linear.gather [hbm4b:s6+s3], $0x2780, $0x38;
	[tilespmem:$0x1D000] =	vst v63  }
0x13: {  	_ =	swait.ge [sflag:s15], $0x2780  }
0x14: {  	[sflag:s15] =	ssyncset.done $0x0  }
0x15: {  	[sflag:s15] =	ssyncadd.s32 $0xFFFFD880  }
0x16: {  	[tilespmem:s16], [sflag:$0x2] =	stream.linear.gather [hbm4b:s7+s3], $0x2780, $0x38;
	[tilespmem:$0x1D000] =	vst v63  }
0x17: {  	_ =	swait.ge [sflag:s15], $0x2780  }
0x18: {  	[sflag:s15] =	ssyncset.done $0x0  }
0x19: {  	[sflag:s15] =	ssyncadd.s32 $0xFFFFD880  }
0x1a: {  	[tilespmem:s17], [sflag:$0x2] =	stream.linear.gather [hbm4b:s5+s3], $0x4000, $0x38;
	[tilespmem:$0x1D000] =	vst v63  }
0x1b: {  	_ =	swait.ge [sflag:s15], $0x4000  }
0x1c: {  	[sflag:s15] =	ssyncset.done $0x0  }
0x1d: {  	[sflag:s15] =	ssyncadd.s32 $0xFFFFC000  }
0x1e: {  	[spmem:s8] =	stream.linear.scatter [tilespmem:s17], [sflag:$0x2], $0x4000, $0x38;
	[tilespmem:$0x1D000] =	vst v63  }
0x1f: {  	_ =	swait.ge [sflag:s15], $0x4000  }
0x20: {  	[sflag:s15] =	ssyncset.done $0x0  }
0x21: {  	[sflag:s15] =	ssyncadd.s32 $0xFFFFC000  }
0x22: {  	[spmem:s9] =	stream.linear.scatter [tilespmem:s17], [sflag:$0x2], $0x4000, $0x38;
	[tilespmem:$0x1D000] =	vst v63  }
0x23: {  	_ =	swait.ge [sflag:s15], $0x4000  }
0x24: {  	[sflag:s15] =	ssyncset.done $0x0  }
0x25: {  	[sflag:s15] =	ssyncadd.s32 $0xFFFFC000  }
0x26: {  	[spmem:s10] =	stream.linear.scatter [tilespmem:s17], [sflag:$0x2], $0x4000, $0x38;
	[tilespmem:$0x1D000] =	vst v63  }
0x27: {  	_ =	swait.ge [sflag:s15], $0x4000  }
0x28: {  	[sflag:s15] =	ssyncset.done $0x0  }
0x29: {  	[sflag:s15] =	ssyncadd.s32 $0xFFFFC000  }
0x2a: {  	[spmem:s11] =	stream.linear.scatter [tilespmem:s17], [sflag:$0x2], $0x4000, $0x38;
	[tilespmem:$0x1D000] =	vst v63  }
0x2b: {  	_ =	swait.ge [sflag:s15], $0x4000  }
0x2c: {  	[sflag:s15] =	ssyncset.done $0x0  }
0x2d: {  	[sflag:s15] =	ssyncadd.s32 $0xFFFFC000  }
0x2e: {  	[spmem:s12] =	stream.linear.scatter [tilespmem:s17], [sflag:$0x2], $0x4000, $0x38;
	[tilespmem:$0x1D000] =	vst v63  }
0x2f: {  	_ =	swait.ge [sflag:s15], $0x4000  }
0x30: {  	[sflag:s15] =	ssyncset.done $0x0  }
0x31: {  	[sflag:s15] =	ssyncadd.s32 $0xFFFFC000  }
0x32: {  	s23 =	simm.s32 $0x0;
	[bflag:$0x0] =	sbarrier.arrive $0xFFFF  }
0x33: {  	[tilespmem:s17], [sflag:$0x1] =	stream.indirect.gather [hbm4b:s4+s18], $0x80, s23, s18, $0xb8;
	[tilespmem:$0x1D000] =	vst v63  }
0x34: {  	_ =	swait.ge [sflag:s19], $0x4000  }
0x35: {  	[sflag:s19] =	ssyncset.done $0x0  }
0x36: {  	s31 =	simm.s32 $0x2800;
	[sflag:s19] =	ssyncadd.s32 $0xFFFFC000  }
0x37: {  	[spmem:s2] =	stream.indirect.scatter.add.f32 [tilespmem:s17], [sflag:$0x2], $0x80, s31, s18, $0xb8;
	[tilespmem:$0x1D000] =	vst v63  }
0x38: {  	_ =	swait.ge [sflag:s15], $0x4000  }
0x39: {  	s24 =	simm.s32 $0x400;
	s23 =	simm.s32 $0x200;
	[sflag:s15] =	ssyncset.done $0x0  }
.LBB2_2:
0x3a: {  	s25 =	sshra.s32 s23, $0x2  }
0x3b: {  	[sflag:s15] =	ssyncadd.s32 $0xFFFFC000;
	s23 =	smov.u32 s24;
	s26 =	sadd.s32 $0x200, s24  }
0x3c: {  	[tilespmem:s17], [sflag:$0x1] =	stream.indirect.gather [hbm4b:s4+s18], $0x80, s25, s18, $0xb8;
	[tilespmem:$0x1D000] =	vst v63  }
0x3d: {  	p0 =	sne.s32 s24, $0x9C00;
	_ =	swait.ge [sflag:s19], $0x4000  }
.Ltmp0:
0x3e: {  	[sflag:s19] =	ssyncset.done $0x0;
	(pc) =	sbr.rel @p0 .LBB2_2-.Ltmp0, $4  }
0x3f: {  	s24 =	sadd.s32 $0x2800, s25;
	[sflag:s19] =	ssyncadd.s32 $0xFFFFC000  }
0x40: {  	[spmem:s2] =	stream.indirect.scatter.add.f32 [tilespmem:s17], [sflag:$0x2], $0x80, s24, s18, $0xb8;
	[tilespmem:$0x1D000] =	vst v63  }
0x41: {  	_ =	swait.ge [sflag:s15], $0x4000  }
0x42: {  	s24 =	smov.u32 s26;
	[sflag:s15] =	ssyncset.done $0x0  }
0x43: {  	s23 =	sshra.s32 s23, $0x2;
	[sflag:s15] =	ssyncadd.s32 $0xFFFFC000  }
0x44: {  	[tilespmem:s17], [sflag:$0x1] =	stream.indirect.gather [hbm4b:s4+s18], $0x80, s23, s18, $0xb8;
	[tilespmem:$0x1D000] =	vst v63  }
0x45: {  	_ =	swait.ge [sflag:s19], $0x4000  }
0x46: {  	[sflag:s19] =	ssyncset.done $0x0  }
0x47: {  	s23 =	sadd.s32 $0x2800, s23;
	[sflag:s19] =	ssyncadd.s32 $0xFFFFC000  }
0x48: {  	[spmem:s2] =	stream.indirect.scatter.add.f32 [tilespmem:s17], [sflag:$0x2], $0x80, s23, s18, $0xb8;
	[tilespmem:$0x1D000] =	vst v63  }
0x49: {  	_ =	swait.ge [sflag:s15], $0x4000  }
0x4a: {  	s22 =	sadd.s32 $0x1, s22;
	[sflag:s15] =	ssyncset.done $0x0  }
0x4b: {  	p0 =	sne.s32 s22, s14;
	[sflag:s15] =	ssyncadd.s32 $0xFFFFC000  }
.Ltmp1:
0x4c: {  	[bflag:$0x0] =	sbarrier.arrive $0xFFFF;
	(pc) =	sbr.rel @p0 .LBB2_1-.Ltmp1, $4  }
0x4d: {  	[hbm:s13], [sflag:s20] =	dma.local [spmem:s21], $0x2800  }
0x4e: {  	_ =	swait.ge [sflag:s15], $0x2800  }
0x4f: {  	[sflag:s15] =	ssyncset.done $0x0  }
0x50: {  	[sflag:s15] =	ssyncadd.s32 $0xFFFFD800  }
0x51: {  	_ =	sfence.sel $0x180000  }
0x52: {  	[bflag:$0x0] =	sbarrier.arrive $0xFFFF  }
0x53: {  	p0 =	sne.s32 s0, $0x0;
	_ =	strace $0x90000047  }
0x54: {  	s0 =	sadd.s32 @!p0 $0x100000, s1;
	[bflag:$0x2] =	sbarrier.arrive $0xFFFF  }
0x55: {  	[sflag:s0] =	ssyncadd.tile.s32 @!p0 $0x1;
	_ =	shalt  }
.Lfunc_end2:
_tile_overlayer_lowered:
.L_overlay_start_2:
0x56: {  	(tag) =	ssettag $0x2  }
0x57: {  	s0 =	rddreg [dreg:$0x0];
	s2 =	stileid.u32  }
0x58: {  	s1 =	rddreg [dreg:$0x1];
	p0 =	sne.s32 s2, $0x0  }
0x59: {  	s3 =	rddreg [dreg:$0x2];
	[bflag:$0x3] =	sbarrier.arrive $0xFFFF;
	s2 =	simm.s32 @!p0 $0x1C02  }
0x5a: {  	[timem:s3], [sflag:s2] =	dma.local @!p0 [hbm:s0], s1  }
0x5b: {  	s0 =	simm.s32 @!p0 $0x2  }
0x5c: {  	_ =	swait.ge @!p0 [sflag:s0], s1  }
0x5d: {  	s1 =	ssub.s32 @!p0 $0x0, s1;
	[sflag:s0] =	ssyncset.done @!p0 $0x0  }
0x5e: {  	[sflag:s0] =	ssyncadd.s32 @!p0 s1  }
0x5f: {  	[bflag:$0x3] =	sbarrier.arrive $0xFFFF  }
0x60: {  	_ =	shalt  }

</sc_bundles>
